<compile_context>
chip_gen: v7x
topology: tpu7x:2x2x1
jax: 0.10.2.dev20260603
libtpu: 0.0.44.dev20260713+nightly
codegen_flags: <defaults>
</compile_context>

<pallas_src>
import functools

import jax
import jax.numpy as jnp
from jax import lax
from jax.experimental import pallas as pl
from jax.experimental.pallas import tpu as pltpu
from jax.experimental.pallas import tpu_sc as plsc

D = 32
K = 8192
N = 8192
NT = 2048
KT = 2048
BETA = 0.25

_NC = 2
_NW = _NC * 16
BPW = N // _NW


def _argmin_body(lhs_ref, emb_ref, xsq_ref, esq_ref, idx_ref, dsum_ref):
    lhs = lhs_ref[...]
    x_sq = xsq_ref[...]

    best_v = jnp.full((NT, 1), jnp.inf, dtype=jnp.float32)
    best_e = jnp.full((NT, 1), jnp.inf, dtype=jnp.float32)
    best_i = jnp.zeros((NT, 1), dtype=jnp.int32)
    for w in range(K // KT):
        emb = emb_ref[pl.ds(w * KT, KT), :]
        e_sq = esq_ref[:, pl.ds(w * KT, KT)]
        mm = lax.dot_general(lhs, emb, (((1,), (1,)), ((), ())),
                             preferred_element_type=jnp.float32)
        dist = (x_sq - mm) + e_sq
        m = jnp.min(dist, axis=1, keepdims=True)
        ii = lax.broadcasted_iota(jnp.int32, dist.shape, 1)
        loc = jnp.min(jnp.where(dist == m, ii, K), axis=1, keepdims=True)
        mq = m.astype(jnp.bfloat16).astype(jnp.float32)
        upd = m < best_v
        best_e = jnp.where(upd, m, best_e)
        best_v = jnp.where(upd, mq, best_v)
        best_i = jnp.where(upd, loc + w * KT, best_i)
    idx_ref[...] = best_i

    i = pl.program_id(0)

    @pl.when(i == 0)
    def _():
        dsum_ref[...] = jnp.zeros_like(dsum_ref)

    dsum_ref[...] += jnp.sum(best_e, axis=(0, 1), keepdims=True)


def _compute_indices(lhs_bf, emb_bf, x_sq, e_sq):
    return pl.pallas_call(
        _argmin_body,
        grid=(N // NT,),
        in_specs=[
            pl.BlockSpec((NT, D), lambda i: (i, 0)),
            pl.BlockSpec((K, D), lambda i: (0, 0)),
            pl.BlockSpec((NT, 1), lambda i: (i, 0)),
            pl.BlockSpec((1, K), lambda i: (0, 0)),
        ],
        out_specs=[
            pl.BlockSpec((NT, 1), lambda i: (i, 0)),
            pl.BlockSpec((1, 1), lambda i: (0, 0)),
        ],
        out_shape=[
            jax.ShapeDtypeStruct((N, 1), jnp.int32),
            jax.ShapeDtypeStruct((1, 1), jnp.float32),
        ],
    )(lhs_bf, emb_bf, x_sq, e_sq)


_RPW = BPW // 128
_DP = 128


def _sc_body(emb_hbm, idx_hbm, zq_hbm, cnt_hbm, idx_v, rows_v, ones_v, zero_v,
             shared_cnt, sem):
    cid = lax.axis_index("c")
    sid = lax.axis_index("s")
    wid = sid * _NC + cid
    pltpu.sync_copy(idx_hbm.at[wid], idx_v)
    copies = [pltpu.async_copy(emb_hbm.at[idx_v.at[r]], rows_v.at[r], sem)
              for r in range(_RPW)]

    def ostep(i, _):
        ones_v[pl.ds(i * 16, 16)] = jnp.ones((16,), jnp.float32)
        return 0
    lax.fori_loop(0, 128 // 16, ostep, 0)

    @pl.when(sid == 0)
    def _():
        def zstep(i, _):
            zero_v[pl.ds(i * 16, 16)] = jnp.zeros((16,), jnp.float32)
            return 0
        lax.fori_loop(0, K // 16, zstep, 0)
        pltpu.sync_copy(zero_v, shared_cnt)

    plsc.subcore_barrier()
    for r in range(_RPW):
        pltpu.sync_copy(ones_v, shared_cnt.at[idx_v.at[r]], add=True)
    plsc.subcore_barrier()

    @pl.when(sid == 0)
    def _():
        pltpu.sync_copy(shared_cnt, cnt_hbm.at[cid])

    for r in range(_RPW):
        copies[r].wait()
    pltpu.sync_copy(rows_v, zq_hbm.at[pl.ds(wid * _RPW, _RPW)])


def _sc_gather_hist(emb_pad, idx_rows):
    sck = functools.partial(
        pl.kernel,
        mesh=plsc.VectorSubcoreMesh(core_axis_name="c", subcore_axis_name="s"),
        out_type=[
            jax.ShapeDtypeStruct((N // 128, 128, _DP), jnp.float32),
            jax.ShapeDtypeStruct((_NC, K), jnp.float32),
        ],
        scratch_types=[
            pltpu.VMEM((_RPW, 128), jnp.int32),
            pltpu.VMEM((_RPW, 128, _DP), jnp.float32),
            pltpu.VMEM((128,), jnp.float32),
            pltpu.VMEM((K,), jnp.float32),
            pltpu.VMEM_SHARED((K,), jnp.float32),
            pltpu.SemaphoreType.DMA,
        ],
    )(_sc_body)
    return sck(emb_pad, idx_rows)


def _final_body(cnt_ref, dsum_ref, commit_ref, perp_ref, hist_ref):
    commit_ref[...] = BETA * (dsum_ref[...] / (N * D))
    counts = jnp.sum(cnt_ref[...], axis=0, keepdims=True)
    total = jnp.maximum(jnp.sum(counts), 1.0)
    probs = counts / total
    plogp = probs * jnp.log(jnp.maximum(probs, 1e-12))
    perp_ref[...] = jnp.exp(-jnp.sum(plogp, axis=(0, 1), keepdims=True))
    hist_ref[...] = counts / total


def _final(cnt_parts, dsum):
    return pl.pallas_call(
        _final_body,
        out_shape=[
            jax.ShapeDtypeStruct((1, 1), jnp.float32),
            jax.ShapeDtypeStruct((1, 1), jnp.float32),
            jax.ShapeDtypeStruct((1, K), jnp.float32),
        ],
    )(cnt_parts, dsum)


def kernel(z_e, embedding):
    B, d, T = z_e.shape
    flat = jnp.transpose(z_e, (0, 2, 1)).reshape(B * T, d)
    x_sq = jnp.sum(flat * flat, axis=1, keepdims=True)
    e_sq = jnp.sum(embedding * embedding, axis=1)
    lhs_bf = (2.0 * flat).astype(jnp.bfloat16)
    emb_bf = embedding.astype(jnp.bfloat16)
    idx2, dsum = _compute_indices(lhs_bf, emb_bf, x_sq, e_sq[None, :])
    emb_pad = jnp.pad(embedding, ((0, 0), (0, _DP - d)))
    zq_rows, cnt_parts = _sc_gather_hist(emb_pad, idx2.reshape(_NW, _RPW, 128))
    zq_flat = zq_rows.reshape(N, _DP)[:, :D]
    commit, perp, hist = _final(cnt_parts, dsum)
    z_q_st = jnp.transpose(zq_flat.reshape(B, T, d), (0, 2, 1))
    return (z_q_st, commit.reshape(()), idx2.reshape(B, T),
            perp.reshape(()), hist.reshape(K))

# --- scband reference (transcript-rebuilt; emitter-appended) ---
"""Pipeline reference for scband-emacodebook-45870250721585 (READ-ONLY COPY).

The authoritative reference and input builder live on the scoring server;
editing this copy changes nothing except your own understanding.
"""

import jax, jax.numpy as jnp
import numpy as np

CODE_DIM = 32
NUM_CODES = 8192


def setup_inputs(seed: int = 0) -> dict:
    key = jax.random.key(seed)
    k1, k2 = jax.random.split(key)
    z_e = jax.random.normal(k1, (8, CODE_DIM, 1024), dtype=jnp.float32)
    embedding = jax.random.normal(k2, (NUM_CODES, CODE_DIM), dtype=jnp.float32) * 0.05
    return {"z_e": z_e, "embedding": embedding}


def reference(z_e, embedding):
    beta_commit = 0.25
    B, d, T = z_e.shape
    K = embedding.shape[0]
    flat = jnp.transpose(z_e, (0, 2, 1)).reshape(B * T, d)
    e_sq = jnp.sum(embedding * embedding, axis=1)
    x_sq = jnp.sum(flat * flat, axis=1, keepdims=True)
    dist = x_sq - 2.0 * flat @ embedding.T + e_sq[None, :]
    indices = jnp.argmin(dist, axis=1)
    z_q = jnp.take(embedding, indices, axis=0)
    z_q = jnp.transpose(z_q.reshape(B, T, d), (0, 2, 1))
    z_q_st = z_e + jax.lax.stop_gradient(z_q - z_e)
    commit_loss = beta_commit * jnp.mean((z_e - jax.lax.stop_gradient(z_q)) ** 2)
    counts = jnp.bincount(indices, minlength=K, length=K).astype(jnp.float32)
    total = jnp.maximum(counts.sum(), 1.0)
    probs = counts / total
    perplexity = jnp.exp(-jnp.sum(probs * jnp.log(jnp.maximum(probs, 1e-12))))
    usage_hist = counts / total
    return (z_q_st, commit_loss, indices.reshape(B, T), perplexity, usage_hist)

if __name__ == "__main__":
    import jax
    _d = setup_inputs()
    print(jax.jit(kernel)(*tuple(_d.values())))

</pallas_src>

<mosaic_0001>
#map = affine_map<(d0, d1) -> (0, 0)>
#map1 = affine_map<(d0, d1) -> (0, 0, 0)>
module attributes {stable_mosaic.version = 14 : i64} {
  func.func @_sc_body(%arg0: i32, %arg1: i32, %arg2: memref<8192x128xf32, #tpu.memory_space<hbm>>, %arg3: memref<32x2x128xi32, #tpu.memory_space<hbm>>, %arg4: memref<64x128x128xf32, #tpu.memory_space<hbm>>, %arg5: memref<2x8192xf32, #tpu.memory_space<hbm>>, %arg6: memref<2x128xi32, #tpu.memory_space<vmem>>, %arg7: memref<2x128x128xf32, #tpu.memory_space<vmem>>, %arg8: memref<128xf32, #tpu.memory_space<vmem>>, %arg9: memref<8192xf32, #tpu.memory_space<vmem>>, %arg10: memref<8192xf32, #tpu.memory_space<vmem_shared>>, %arg11: memref<!tpu.dma_semaphore, #tpu.memory_space<semaphore_mem>>) attributes {dimension_semantics = [#tpu.dimension_semantics<core_parallel>, #tpu.dimension_semantics<subcore_parallel>], iteration_bounds = array<i64: 2, 16>, scalar_prefetch = 0 : i64, scratch_operands = 6 : i64, tpu.core_type = #tpu.core_type<sc_vector_subcore>, window_params = [{transform_indices = #map}, {transform_indices = #map1}, {transform_indices = #map1}, {transform_indices = #map}]} {
    %mul3A = arith.constant 2 : i32
    %mul3A_0 = arith.muli %arg1, %mul3A : i32
    %add3A = arith.addi %mul3A_0, %arg0 : i32
    "tpu.region"() ({
      %run_scoped3A_64 = tpu.sem_alloc : memref<!tpu.dma_semaphore, #tpu.memory_space<semaphore_mem>>
      %dma_start3A_65 = arith.constant 0 : i32
      %dma_start3A_66 = arith.constant 0 : i32
      %dma_start3A_67 = tpu.memref_slice %arg3[%add3A, %dma_start3A_65, %dma_start3A_66] : memref<32x2x128xi32, #tpu.memory_space<hbm>> -> memref<1x2x128xi32, #tpu.memory_space<hbm>>
      %dma_start3A_68 = tpu.memref_squeeze %dma_start3A_67 : memref<1x2x128xi32, #tpu.memory_space<hbm>> -> memref<2x128xi32, #tpu.memory_space<hbm>>
      %dma_start3A_69 = arith.constant 0 : i32
      %dma_start3A_70 = arith.constant 0 : i32
      %dma_start3A_71 = tpu.memref_slice %arg3[%add3A, %dma_start3A_69, %dma_start3A_70] : memref<32x2x128xi32, #tpu.memory_space<hbm>> -> memref<1x2x128xi32, #tpu.memory_space<hbm>>
      %dma_start3A_72 = tpu.memref_squeeze %dma_start3A_71 : memref<1x2x128xi32, #tpu.memory_space<hbm>> -> memref<2x128xi32, #tpu.memory_space<hbm>>
      tpu.enqueue_dma source(%dma_start3A_72 : memref<2x128xi32, #tpu.memory_space<hbm>>) target(%arg6 : memref<2x128xi32, #tpu.memory_space<vmem>>) target_semaphore(%run_scoped3A_64 : memref<!tpu.dma_semaphore, #tpu.memory_space<semaphore_mem>>)
      %dma_wait3A_73 = arith.constant 0 : i32
      %dma_wait3A_74 = arith.constant 0 : i32
      %dma_wait3A_75 = tpu.memref_slice %arg3[%add3A, %dma_wait3A_73, %dma_wait3A_74] : memref<32x2x128xi32, #tpu.memory_space<hbm>> -> memref<1x2x128xi32, #tpu.memory_space<hbm>>
      %dma_wait3A_76 = tpu.memref_squeeze %dma_wait3A_75 : memref<1x2x128xi32, #tpu.memory_space<hbm>> -> memref<2x128xi32, #tpu.memory_space<hbm>>
      %dma_wait3A_77 = arith.constant 0 : i32
      %dma_wait3A_78 = arith.constant 0 : i32
      %dma_wait3A_79 = tpu.memref_slice %arg3[%add3A, %dma_wait3A_77, %dma_wait3A_78] : memref<32x2x128xi32, #tpu.memory_space<hbm>> -> memref<1x2x128xi32, #tpu.memory_space<hbm>>
      %dma_wait3A_80 = tpu.memref_squeeze %dma_wait3A_79 : memref<1x2x128xi32, #tpu.memory_space<hbm>> -> memref<2x128xi32, #tpu.memory_space<hbm>>
      tpu.wait_dma2 semaphore(%run_scoped3A_64 : memref<!tpu.dma_semaphore, #tpu.memory_space<semaphore_mem>>) src(%dma_wait3A_80 : memref<2x128xi32, #tpu.memory_space<hbm>>) dst(%arg6 : memref<2x128xi32, #tpu.memory_space<vmem>>)
      tpu.yield
    }) : () -> ()
    %dma_start3A = arith.constant 0 : i32
    %dma_start3A_1 = arith.constant 0 : i32
    %dma_start3A_2 = arith.constant 0 : i32
    %dma_start3A_3 = arith.constant 0 : i32
    %dma_start3A_4 = tpu.memref_slice %arg7[%dma_start3A_1, %dma_start3A_2, %dma_start3A_3] : memref<2x128x128xf32, #tpu.memory_space<vmem>> -> memref<1x128x128xf32, #tpu.memory_space<vmem>>
    %dma_start3A_5 = tpu.memref_squeeze %dma_start3A_4 : memref<1x128x128xf32, #tpu.memory_space<vmem>> -> memref<128x128xf32, #tpu.memory_space<vmem>>
    %dma_start3A_6 = arith.constant 0 : i32
    %dma_start3A_7 = tpu.memref_slice %arg6[%dma_start3A, %dma_start3A_6] : memref<2x128xi32, #tpu.memory_space<vmem>> -> memref<1x128xi32, #tpu.memory_space<vmem>>
    %dma_start3A_8 = tpu.memref_squeeze %dma_start3A_7 : memref<1x128xi32, #tpu.memory_space<vmem>> -> memref<128xi32, #tpu.memory_space<vmem>>
    %dma_start3A_9 = arith.constant 0 : i32
    %dma_start3A_10 = arith.constant 0 : i32
    %dma_start3A_11 = tpu.memref_slice %arg2[%dma_start3A_9, %dma_start3A_10] : memref<8192x128xf32, #tpu.memory_space<hbm>> -> memref<8192x128xf32, #tpu.memory_space<hbm>>
    tpu.enqueue_indirect_dma source(%dma_start3A_11 : memref<8192x128xf32, #tpu.memory_space<hbm>>) target(%dma_start3A_5 : memref<128x128xf32, #tpu.memory_space<vmem>>) offsets(%dma_start3A_8 : memref<128xi32, #tpu.memory_space<vmem>>) semaphore(%arg11 : memref<!tpu.dma_semaphore, #tpu.memory_space<semaphore_mem>>)
    %dma_start3A_12 = arith.constant 1 : i32
    %dma_start3A_13 = arith.constant 1 : i32
    %dma_start3A_14 = arith.constant 0 : i32
    %dma_start3A_15 = arith.constant 0 : i32
    %dma_start3A_16 = tpu.memref_slice %arg7[%dma_start3A_13, %dma_start3A_14, %dma_start3A_15] : memref<2x128x128xf32, #tpu.memory_space<vmem>> -> memref<1x128x128xf32, #tpu.memory_space<vmem>>
    %dma_start3A_17 = tpu.memref_squeeze %dma_start3A_16 : memref<1x128x128xf32, #tpu.memory_space<vmem>> -> memref<128x128xf32, #tpu.memory_space<vmem>>
    %dma_start3A_18 = arith.constant 0 : i32
    %dma_start3A_19 = tpu.memref_slice %arg6[%dma_start3A_12, %dma_start3A_18] : memref<2x128xi32, #tpu.memory_space<vmem>> -> memref<1x128xi32, #tpu.memory_space<vmem>>
    %dma_start3A_20 = tpu.memref_squeeze %dma_start3A_19 : memref<1x128xi32, #tpu.memory_space<vmem>> -> memref<128xi32, #tpu.memory_space<vmem>>
    %dma_start3A_21 = arith.constant 0 : i32
    %dma_start3A_22 = arith.constant 0 : i32
    %dma_start3A_23 = tpu.memref_slice %arg2[%dma_start3A_21, %dma_start3A_22] : memref<8192x128xf32, #tpu.memory_space<hbm>> -> memref<8192x128xf32, #tpu.memory_space<hbm>>
    tpu.enqueue_indirect_dma source(%dma_start3A_23 : memref<8192x128xf32, #tpu.memory_space<hbm>>) target(%dma_start3A_17 : memref<128x128xf32, #tpu.memory_space<vmem>>) offsets(%dma_start3A_20 : memref<128xi32, #tpu.memory_space<vmem>>) semaphore(%arg11 : memref<!tpu.dma_semaphore, #tpu.memory_space<semaphore_mem>>)
    %scan3A = arith.constant 0 : i32
    %scan3A_24 = arith.constant 0 : i32
    %scan3A_25 = arith.constant 8 : i32
    %scan3A_26 = arith.addi %scan3A_24, %scan3A_25 : i32
    %scan3A_27 = arith.constant 1 : i32
    %scan3A_28 = scf.for %scan3A_64 = %scan3A_24 to %scan3A_26 step %scan3A_27 iter_args(%scan3A_65 = %scan3A) -> (i32)  : i32 {
      %broadcast_in_dim3A = arith.constant 1.000000e+00 : f32
      %broadcast_in_dim3A_66 = vector.broadcast %broadcast_in_dim3A : f32 to vector<16xf32>
      %mul3A_67 = arith.constant 16 : i32
      %mul3A_68 = arith.muli %scan3A_64, %mul3A_67 : i32
      %swap3A = arith.index_cast %mul3A_68 : i32 to index
      %swap3A_69 = tpu.vector_load %arg8[%swap3A] {strides = array<i32>} : memref<128xf32, #tpu.memory_space<vmem>>, vector<16xf32>,
      %swap3A_70 = vector.shape_cast %swap3A_69 : vector<16xf32> to vector<16xf32>
      %swap3A_71 = vector.shape_cast %broadcast_in_dim3A_66 : vector<16xf32> to vector<16xf32>
      tpu.vector_store %arg8[%swap3A], %swap3A_71 {strides = array<i32>} : memref<128xf32, #tpu.memory_space<vmem>>, vector<16xf32>,
      %scan3A_72 = arith.constant 0 : i32
      scf.yield %scan3A_72 : i32
    }
    %scan3A_29 = arith.constant 8 : i32
    %eq3A = arith.constant 0 : i32
    %eq3A_30 = arith.cmpi eq, %arg1, %eq3A : i32
    %convert_element_type3A = arith.extui %eq3A_30 : i1 to i32
    %cond3A = arith.constant 0 : i32
    %cond3A_31 = arith.cmpi ne, %convert_element_type3A, %cond3A : i32
    scf.if %cond3A_31 {
      %scan3A_64 = arith.constant 0 : i32
      %scan3A_65 = arith.constant 0 : i32
      %scan3A_66 = arith.constant 512 : i32
      %scan3A_67 = arith.addi %scan3A_65, %scan3A_66 : i32
      %scan3A_68 = arith.constant 1 : i32
      %scan3A_69 = scf.for %scan3A_71 = %scan3A_65 to %scan3A_67 step %scan3A_68 iter_args(%scan3A_72 = %scan3A_64) -> (i32)  : i32 {
        %broadcast_in_dim3A = arith.constant 0.000000e+00 : f32
        %broadcast_in_dim3A_73 = vector.broadcast %broadcast_in_dim3A : f32 to vector<16xf32>
        %mul3A_74 = arith.constant 16 : i32
        %mul3A_75 = arith.muli %scan3A_71, %mul3A_74 : i32
        %swap3A = arith.index_cast %mul3A_75 : i32 to index
        %swap3A_76 = tpu.vector_load %arg9[%swap3A] {strides = array<i32>} : memref<8192xf32, #tpu.memory_space<vmem>>, vector<16xf32>,
        %swap3A_77 = vector.shape_cast %swap3A_76 : vector<16xf32> to vector<16xf32>
        %swap3A_78 = vector.shape_cast %broadcast_in_dim3A_73 : vector<16xf32> to vector<16xf32>
        tpu.vector_store %arg9[%swap3A], %swap3A_78 {strides = array<i32>} : memref<8192xf32, #tpu.memory_space<vmem>>, vector<16xf32>,
        %scan3A_79 = arith.constant 0 : i32
        scf.yield %scan3A_79 : i32
      }
      %scan3A_70 = arith.constant 512 : i32
      "tpu.region"() ({
        %run_scoped3A_71 = tpu.sem_alloc : memref<!tpu.dma_semaphore, #tpu.memory_space<semaphore_mem>>
        tpu.enqueue_dma source(%arg9 : memref<8192xf32, #tpu.memory_space<vmem>>) target(%arg10 : memref<8192xf32, #tpu.memory_space<vmem_shared>>) target_semaphore(%run_scoped3A_71 : memref<!tpu.dma_semaphore, #tpu.memory_space<semaphore_mem>>)
        tpu.wait_dma2 semaphore(%run_scoped3A_71 : memref<!tpu.dma_semaphore, #tpu.memory_space<semaphore_mem>>) src(%arg9 : memref<8192xf32, #tpu.memory_space<vmem>>) dst(%arg10 : memref<8192xf32, #tpu.memory_space<vmem_shared>>)
        tpu.yield
      }) : () -> ()
    } else {
    }
    %barrier3A = arith.constant 0 : index
    tpu.barrier barrier_id(%barrier3A)
    %run_scoped3A = arith.constant 0 : i32
    "tpu.region"() ({
      %run_scoped3A_64 = tpu.sem_alloc : memref<!tpu.dma_semaphore, #tpu.memory_space<semaphore_mem>>
      %dma_start3A_65 = arith.constant 0 : i32
      %dma_start3A_66 = tpu.memref_slice %arg6[%run_scoped3A, %dma_start3A_65] : memref<2x128xi32, #tpu.memory_space<vmem>> -> memref<1x128xi32, #tpu.memory_space<vmem>>
      %dma_start3A_67 = tpu.memref_squeeze %dma_start3A_66 : memref<1x128xi32, #tpu.memory_space<vmem>> -> memref<128xi32, #tpu.memory_space<vmem>>
      %dma_start3A_68 = arith.constant 0 : i32
      %dma_start3A_69 = tpu.memref_slice %arg10[%dma_start3A_68] : memref<8192xf32, #tpu.memory_space<vmem_shared>> -> memref<8192xf32, #tpu.memory_space<vmem_shared>>
      tpu.enqueue_indirect_dma source(%arg8 : memref<128xf32, #tpu.memory_space<vmem>>) target(%dma_start3A_69 : memref<8192xf32, #tpu.memory_space<vmem_shared>>) offsets(%dma_start3A_67 : memref<128xi32, #tpu.memory_space<vmem>>) semaphore(%run_scoped3A_64 : memref<!tpu.dma_semaphore, #tpu.memory_space<semaphore_mem>>) {add = true}
      %dma_wait3A_70 = arith.constant 0 : i32
      %dma_wait3A_71 = tpu.memref_slice %arg6[%run_scoped3A, %dma_wait3A_70] : memref<2x128xi32, #tpu.memory_space<vmem>> -> memref<1x128xi32, #tpu.memory_space<vmem>>
      %dma_wait3A_72 = tpu.memref_squeeze %dma_wait3A_71 : memref<1x128xi32, #tpu.memory_space<vmem>> -> memref<128xi32, #tpu.memory_space<vmem>>
      %dma_wait3A_73 = arith.constant 0 : i32
      %dma_wait3A_74 = tpu.memref_slice %arg10[%dma_wait3A_73] : memref<8192xf32, #tpu.memory_space<vmem_shared>> -> memref<8192xf32, #tpu.memory_space<vmem_shared>>
      tpu.wait_indirect_dma semaphore(%run_scoped3A_64 : memref<!tpu.dma_semaphore, #tpu.memory_space<semaphore_mem>>) src(%arg8 : memref<128xf32, #tpu.memory_space<vmem>>) dst(%dma_wait3A_74 : memref<8192xf32, #tpu.memory_space<vmem_shared>>)
      tpu.yield
    }) : () -> ()
    %run_scoped3A_32 = arith.constant 1 : i32
    "tpu.region"() ({
      %run_scoped3A_64 = tpu.sem_alloc : memref<!tpu.dma_semaphore, #tpu.memory_space<semaphore_mem>>
      %dma_start3A_65 = arith.constant 0 : i32
      %dma_start3A_66 = tpu.memref_slice %arg6[%run_scoped3A_32, %dma_start3A_65] : memref<2x128xi32, #tpu.memory_space<vmem>> -> memref<1x128xi32, #tpu.memory_space<vmem>>
      %dma_start3A_67 = tpu.memref_squeeze %dma_start3A_66 : memref<1x128xi32, #tpu.memory_space<vmem>> -> memref<128xi32, #tpu.memory_space<vmem>>
      %dma_start3A_68 = arith.constant 0 : i32
      %dma_start3A_69 = tpu.memref_slice %arg10[%dma_start3A_68] : memref<8192xf32, #tpu.memory_space<vmem_shared>> -> memref<8192xf32, #tpu.memory_space<vmem_shared>>
      tpu.enqueue_indirect_dma source(%arg8 : memref<128xf32, #tpu.memory_space<vmem>>) target(%dma_start3A_69 : memref<8192xf32, #tpu.memory_space<vmem_shared>>) offsets(%dma_start3A_67 : memref<128xi32, #tpu.memory_space<vmem>>) semaphore(%run_scoped3A_64 : memref<!tpu.dma_semaphore, #tpu.memory_space<semaphore_mem>>) {add = true}
      %dma_wait3A_70 = arith.constant 0 : i32
      %dma_wait3A_71 = tpu.memref_slice %arg6[%run_scoped3A_32, %dma_wait3A_70] : memref<2x128xi32, #tpu.memory_space<vmem>> -> memref<1x128xi32, #tpu.memory_space<vmem>>
      %dma_wait3A_72 = tpu.memref_squeeze %dma_wait3A_71 : memref<1x128xi32, #tpu.memory_space<vmem>> -> memref<128xi32, #tpu.memory_space<vmem>>
      %dma_wait3A_73 = arith.constant 0 : i32
      %dma_wait3A_74 = tpu.memref_slice %arg10[%dma_wait3A_73] : memref<8192xf32, #tpu.memory_space<vmem_shared>> -> memref<8192xf32, #tpu.memory_space<vmem_shared>>
      tpu.wait_indirect_dma semaphore(%run_scoped3A_64 : memref<!tpu.dma_semaphore, #tpu.memory_space<semaphore_mem>>) src(%arg8 : memref<128xf32, #tpu.memory_space<vmem>>) dst(%dma_wait3A_74 : memref<8192xf32, #tpu.memory_space<vmem_shared>>)
      tpu.yield
    }) : () -> ()
    %barrier3A_33 = arith.constant 0 : index
    tpu.barrier barrier_id(%barrier3A_33)
    %eq3A_34 = arith.constant 0 : i32
    %eq3A_35 = arith.cmpi eq, %arg1, %eq3A_34 : i32
    %convert_element_type3A_36 = arith.extui %eq3A_35 : i1 to i32
    %cond3A_37 = arith.constant 0 : i32
    %cond3A_38 = arith.cmpi ne, %convert_element_type3A_36, %cond3A_37 : i32
    scf.if %cond3A_38 {
      "tpu.region"() ({
        %run_scoped3A_64 = tpu.sem_alloc : memref<!tpu.dma_semaphore, #tpu.memory_space<semaphore_mem>>
        %dma_start3A_65 = arith.constant 0 : i32
        %dma_start3A_66 = tpu.memref_slice %arg5[%arg0, %dma_start3A_65] : memref<2x8192xf32, #tpu.memory_space<hbm>> -> memref<1x8192xf32, #tpu.memory_space<hbm>>
        %dma_start3A_67 = tpu.memref_squeeze %dma_start3A_66 : memref<1x8192xf32, #tpu.memory_space<hbm>> -> memref<8192xf32, #tpu.memory_space<hbm>>
        tpu.enqueue_dma source(%arg10 : memref<8192xf32, #tpu.memory_space<vmem_shared>>) target(%dma_start3A_67 : memref<8192xf32, #tpu.memory_space<hbm>>) target_semaphore(%run_scoped3A_64 : memref<!tpu.dma_semaphore, #tpu.memory_space<semaphore_mem>>)
        %dma_wait3A_68 = arith.constant 0 : i32
        %dma_wait3A_69 = tpu.memref_slice %arg5[%arg0, %dma_wait3A_68] : memref<2x8192xf32, #tpu.memory_space<hbm>> -> memref<1x8192xf32, #tpu.memory_space<hbm>>
        %dma_wait3A_70 = tpu.memref_squeeze %dma_wait3A_69 : memref<1x8192xf32, #tpu.memory_space<hbm>> -> memref<8192xf32, #tpu.memory_space<hbm>>
        tpu.wait_dma2 semaphore(%run_scoped3A_64 : memref<!tpu.dma_semaphore, #tpu.memory_space<semaphore_mem>>) src(%arg10 : memref<8192xf32, #tpu.memory_space<vmem_shared>>) dst(%dma_wait3A_70 : memref<8192xf32, #tpu.memory_space<hbm>>)
        tpu.yield
      }) : () -> ()
    } else {
    }
    %dma_wait3A = arith.constant 0 : i32
    %dma_wait3A_39 = arith.constant 0 : i32
    %dma_wait3A_40 = arith.constant 0 : i32
    %dma_wait3A_41 = arith.constant 0 : i32
    %dma_wait3A_42 = tpu.memref_slice %arg7[%dma_wait3A_39, %dma_wait3A_40, %dma_wait3A_41] : memref<2x128x128xf32, #tpu.memory_space<vmem>> -> memref<1x128x128xf32, #tpu.memory_space<vmem>>
    %dma_wait3A_43 = tpu.memref_squeeze %dma_wait3A_42 : memref<1x128x128xf32, #tpu.memory_space<vmem>> -> memref<128x128xf32, #tpu.memory_space<vmem>>
    %dma_wait3A_44 = arith.constant 0 : i32
    %dma_wait3A_45 = tpu.memref_slice %arg6[%dma_wait3A, %dma_wait3A_44] : memref<2x128xi32, #tpu.memory_space<vmem>> -> memref<1x128xi32, #tpu.memory_space<vmem>>
    %dma_wait3A_46 = tpu.memref_squeeze %dma_wait3A_45 : memref<1x128xi32, #tpu.memory_space<vmem>> -> memref<128xi32, #tpu.memory_space<vmem>>
    %dma_wait3A_47 = arith.constant 0 : i32
    %dma_wait3A_48 = arith.constant 0 : i32
    %dma_wait3A_49 = tpu.memref_slice %arg2[%dma_wait3A_47, %dma_wait3A_48] : memref<8192x128xf32, #tpu.memory_space<hbm>> -> memref<8192x128xf32, #tpu.memory_space<hbm>>
    tpu.wait_indirect_dma semaphore(%arg11 : memref<!tpu.dma_semaphore, #tpu.memory_space<semaphore_mem>>) src(%dma_wait3A_49 : memref<8192x128xf32, #tpu.memory_space<hbm>>) dst(%dma_wait3A_43 : memref<128x128xf32, #tpu.memory_space<vmem>>)
    %dma_wait3A_50 = arith.constant 1 : i32
    %dma_wait3A_51 = arith.constant 1 : i32
    %dma_wait3A_52 = arith.constant 0 : i32
    %dma_wait3A_53 = arith.constant 0 : i32
    %dma_wait3A_54 = tpu.memref_slice %arg7[%dma_wait3A_51, %dma_wait3A_52, %dma_wait3A_53] : memref<2x128x128xf32, #tpu.memory_space<vmem>> -> memref<1x128x128xf32, #tpu.memory_space<vmem>>
    %dma_wait3A_55 = tpu.memref_squeeze %dma_wait3A_54 : memref<1x128x128xf32, #tpu.memory_space<vmem>> -> memref<128x128xf32, #tpu.memory_space<vmem>>
    %dma_wait3A_56 = arith.constant 0 : i32
    %dma_wait3A_57 = tpu.memref_slice %arg6[%dma_wait3A_50, %dma_wait3A_56] : memref<2x128xi32, #tpu.memory_space<vmem>> -> memref<1x128xi32, #tpu.memory_space<vmem>>
    %dma_wait3A_58 = tpu.memref_squeeze %dma_wait3A_57 : memref<1x128xi32, #tpu.memory_space<vmem>> -> memref<128xi32, #tpu.memory_space<vmem>>
    %dma_wait3A_59 = arith.constant 0 : i32
    %dma_wait3A_60 = arith.constant 0 : i32
    %dma_wait3A_61 = tpu.memref_slice %arg2[%dma_wait3A_59, %dma_wait3A_60] : memref<8192x128xf32, #tpu.memory_space<hbm>> -> memref<8192x128xf32, #tpu.memory_space<hbm>>
    tpu.wait_indirect_dma semaphore(%arg11 : memref<!tpu.dma_semaphore, #tpu.memory_space<semaphore_mem>>) src(%dma_wait3A_61 : memref<8192x128xf32, #tpu.memory_space<hbm>>) dst(%dma_wait3A_55 : memref<128x128xf32, #tpu.memory_space<vmem>>)
    %mul3A_62 = arith.constant 2 : i32
    %mul3A_63 = arith.muli %add3A, %mul3A_62 : i32
    "tpu.region"() ({
      %run_scoped3A_64 = tpu.sem_alloc : memref<!tpu.dma_semaphore, #tpu.memory_space<semaphore_mem>>
      %dma_start3A_65 = arith.constant 0 : i32
      %dma_start3A_66 = arith.constant 0 : i32
      %dma_start3A_67 = tpu.memref_slice %arg4[%mul3A_63, %dma_start3A_65, %dma_start3A_66] : memref<64x128x128xf32, #tpu.memory_space<hbm>> -> memref<2x128x128xf32, #tpu.memory_space<hbm>>
      %dma_start3A_68 = arith.constant 0 : i32
      %dma_start3A_69 = arith.constant 0 : i32
      %dma_start3A_70 = tpu.memref_slice %arg4[%mul3A_63, %dma_start3A_68, %dma_start3A_69] : memref<64x128x128xf32, #tpu.memory_space<hbm>> -> memref<2x128x128xf32, #tpu.memory_space<hbm>>
      tpu.enqueue_dma source(%arg7 : memref<2x128x128xf32, #tpu.memory_space<vmem>>) target(%dma_start3A_70 : memref<2x128x128xf32, #tpu.memory_space<hbm>>) target_semaphore(%run_scoped3A_64 : memref<!tpu.dma_semaphore, #tpu.memory_space<semaphore_mem>>)
      %dma_wait3A_71 = arith.constant 0 : i32
      %dma_wait3A_72 = arith.constant 0 : i32
      %dma_wait3A_73 = tpu.memref_slice %arg4[%mul3A_63, %dma_wait3A_71, %dma_wait3A_72] : memref<64x128x128xf32, #tpu.memory_space<hbm>> -> memref<2x128x128xf32, #tpu.memory_space<hbm>>
      %dma_wait3A_74 = arith.constant 0 : i32
      %dma_wait3A_75 = arith.constant 0 : i32
      %dma_wait3A_76 = tpu.memref_slice %arg4[%mul3A_63, %dma_wait3A_74, %dma_wait3A_75] : memref<64x128x128xf32, #tpu.memory_space<hbm>> -> memref<2x128x128xf32, #tpu.memory_space<hbm>>
      tpu.wait_dma2 semaphore(%run_scoped3A_64 : memref<!tpu.dma_semaphore, #tpu.memory_space<semaphore_mem>>) src(%arg7 : memref<2x128x128xf32, #tpu.memory_space<vmem>>) dst(%dma_wait3A_76 : memref<2x128x128xf32, #tpu.memory_space<hbm>>)
      tpu.yield
    }) : () -> ()
    return
  }
}

module attributes {stable_mosaic.version = 14 : i64} {
  func.func @_argmin_body(%arg0: i32, %arg1: memref<2048x32xbf16, #tpu.memory_space<vmem>>, %arg2: memref<8192x32xbf16, #tpu.memory_space<vmem>>, %arg3: memref<2048x1xf32, #tpu.memory_space<vmem>>, %arg4: memref<1x8192xf32, #tpu.memory_space<vmem>>, %arg5: memref<2048x1xi32, #tpu.memory_space<vmem>>, %arg6: memref<1x1xf32, #tpu.memory_space<vmem>>) attributes {dimension_semantics = [#tpu.dimension_semantics<arbitrary>], iteration_bounds = array<i64: 4>, scalar_prefetch = 0 : i64, scratch_operands = 0 : i64, tpu.core_type = #tpu.core_type<tc>, window_params = [{transform_indices = @transform_0, window_bounds = array<i64: 2048, 32>}, {pipeline_mode = #tpu.pipeline_mode<synchronous>, transform_indices = @transform_1, window_bounds = array<i64: 8192, 32>}, {transform_indices = @transform_2, window_bounds = array<i64: 2048, 1>}, {pipeline_mode = #tpu.pipeline_mode<synchronous>, transform_indices = @transform_3, window_bounds = array<i64: 1, 8192>}, {transform_indices = @transform_4, window_bounds = array<i64: 2048, 1>}, {pipeline_mode = #tpu.pipeline_mode<synchronous>, transform_indices = @transform_5, window_bounds = array<i64: 1, 1>}]} {
    %get3A = arith.constant 0 : index
    %get3A_0 = arith.constant 0 : index
    %get3A_1 = vector.load %arg1[%get3A, %get3A_0] : memref<2048x32xbf16, #tpu.memory_space<vmem>>, vector<2048x32xbf16>
    %get3A_2 = arith.constant 0 : index
    %get3A_3 = arith.constant 0 : index
    %get3A_4 = vector.load %arg3[%get3A_2, %get3A_3] : memref<2048x1xf32, #tpu.memory_space<vmem>>, vector<2048x1xf32>
    %broadcast_in_dim3A = arith.constant 0x7F800000 : f32
    %broadcast_in_dim3A_5 = vector.broadcast %broadcast_in_dim3A : f32 to vector<2048x1xf32>
    %broadcast_in_dim3A_6 = arith.constant 0x7F800000 : f32
    %broadcast_in_dim3A_7 = vector.broadcast %broadcast_in_dim3A_6 : f32 to vector<2048x1xf32>
    %broadcast_in_dim3A_8 = arith.constant 0 : i32
    %broadcast_in_dim3A_9 = vector.broadcast %broadcast_in_dim3A_8 : i32 to vector<2048x1xi32>
    %get3A_10 = arith.constant 0 : index
    %get3A_11 = arith.constant 0 : index
    %get3A_12 = vector.load %arg2[%get3A_10, %get3A_11] : memref<8192x32xbf16, #tpu.memory_space<vmem>>, vector<2048x32xbf16>
    %get3A_13 = arith.constant 0 : index
    %get3A_14 = arith.constant 0 : index
    %get3A_15 = vector.load %arg4[%get3A_13, %get3A_14] : memref<1x8192xf32, #tpu.memory_space<vmem>>, vector<1x2048xf32>
    %dot_general3A = arith.constant dense<0.000000e+00> : vector<2048x2048xf32>
    %dot_general3A_16 = tpu.matmul %get3A_1, %get3A_12, %dot_general3A {dimension_numbers = #tpu.dot_dimension_numbers<[1], [1], [0], [0], [0, 0, 1, 0], [], []>, transpose_lhs_hint = false} : vector<2048x32xbf16>, vector<2048x32xbf16>, vector<2048x2048xf32> -> vector<2048x2048xf32>
    %sub3A = vector.broadcast %get3A_4 : vector<2048x1xf32> to vector<2048x2048xf32>
    %sub3A_17 = arith.subf %sub3A, %dot_general3A_16 : vector<2048x2048xf32>
    %add3A = vector.broadcast %get3A_15 : vector<1x2048xf32> to vector<2048x2048xf32>
    %add3A_18 = arith.addf %sub3A_17, %add3A : vector<2048x2048xf32>
    %reduce_min3A = arith.constant dense<0x7F800000> : vector<2048xf32>
    %reduce_min3A_19 = vector.multi_reduction <minimumf>, %add3A_18, %reduce_min3A [1] : vector<2048x2048xf32> to vector<2048xf32>
    %broadcast_in_dim3A_20 = vector.shape_cast %reduce_min3A_19 : vector<2048xf32> to vector<2048x1xf32>
    %iota3A = tpu.iota {dimensions = array<i32: 1>} : vector<2048x2048xi32>
    %eq3A = vector.broadcast %broadcast_in_dim3A_20 : vector<2048x1xf32> to vector<2048x2048xf32>
    %eq3A_21 = arith.cmpf oeq, %add3A_18, %eq3A : vector<2048x2048xf32>
    %jit3A = arith.constant 8192 : i32
    %broadcast_in_dim3A_22 = vector.broadcast %jit3A : i32 to vector<2048x2048xi32>
    %select_n3A = arith.select %eq3A_21, %iota3A, %broadcast_in_dim3A_22 : vector<2048x2048xi1>, vector<2048x2048xi32>
    %reduce_min3A_23 = arith.constant dense<2147483647> : vector<2048xi32>
    %reduce_min3A_24 = vector.multi_reduction <minsi>, %select_n3A, %reduce_min3A_23 [1] : vector<2048x2048xi32> to vector<2048xi32>
    %broadcast_in_dim3A_25 = vector.shape_cast %reduce_min3A_24 : vector<2048xi32> to vector<2048x1xi32>
    %convert_element_type3A = arith.truncf %broadcast_in_dim3A_20 : vector<2048x1xf32> to vector<2048x1xbf16>
    %convert_element_type3A_26 = arith.extf %convert_element_type3A : vector<2048x1xbf16> to vector<2048x1xf32>
    %lt3A = arith.cmpf olt, %broadcast_in_dim3A_20, %broadcast_in_dim3A_5 : vector<2048x1xf32>
    %select_n3A_27 = arith.select %lt3A, %broadcast_in_dim3A_20, %broadcast_in_dim3A_7 : vector<2048x1xi1>, vector<2048x1xf32>
    %select_n3A_28 = arith.select %lt3A, %convert_element_type3A_26, %broadcast_in_dim3A_5 : vector<2048x1xi1>, vector<2048x1xf32>
    %add3A_29 = arith.constant 0 : i32
    %add3A_30 = vector.broadcast %add3A_29 : i32 to vector<2048x1xi32>
    %add3A_31 = arith.addi %broadcast_in_dim3A_25, %add3A_30 : vector<2048x1xi32>
    %select_n3A_32 = arith.select %lt3A, %add3A_31, %broadcast_in_dim3A_9 : vector<2048x1xi1>, vector<2048x1xi32>
    %get3A_33 = arith.constant 2048 : index
    %get3A_34 = arith.constant 0 : index
    %get3A_35 = vector.load %arg2[%get3A_33, %get3A_34] : memref<8192x32xbf16, #tpu.memory_space<vmem>>, vector<2048x32xbf16>
    %get3A_36 = arith.constant 0 : index
    %get3A_37 = arith.constant 2048 : index
    %get3A_38 = vector.load %arg4[%get3A_36, %get3A_37] : memref<1x8192xf32, #tpu.memory_space<vmem>>, vector<1x2048xf32>
    %dot_general3A_39 = arith.constant dense<0.000000e+00> : vector<2048x2048xf32>
    %dot_general3A_40 = tpu.matmul %get3A_1, %get3A_35, %dot_general3A_39 {dimension_numbers = #tpu.dot_dimension_numbers<[1], [1], [0], [0], [0, 0, 1, 0], [], []>, transpose_lhs_hint = false} : vector<2048x32xbf16>, vector<2048x32xbf16>, vector<2048x2048xf32> -> vector<2048x2048xf32>
    %sub3A_41 = vector.broadcast %get3A_4 : vector<2048x1xf32> to vector<2048x2048xf32>
    %sub3A_42 = arith.subf %sub3A_41, %dot_general3A_40 : vector<2048x2048xf32>
    %add3A_43 = vector.broadcast %get3A_38 : vector<1x2048xf32> to vector<2048x2048xf32>
    %add3A_44 = arith.addf %sub3A_42, %add3A_43 : vector<2048x2048xf32>
    %reduce_min3A_45 = arith.constant dense<0x7F800000> : vector<2048xf32>
    %reduce_min3A_46 = vector.multi_reduction <minimumf>, %add3A_44, %reduce_min3A_45 [1] : vector<2048x2048xf32> to vector<2048xf32>
    %broadcast_in_dim3A_47 = vector.shape_cast %reduce_min3A_46 : vector<2048xf32> to vector<2048x1xf32>
    %iota3A_48 = tpu.iota {dimensions = array<i32: 1>} : vector<2048x2048xi32>
    %eq3A_49 = vector.broadcast %broadcast_in_dim3A_47 : vector<2048x1xf32> to vector<2048x2048xf32>
    %eq3A_50 = arith.cmpf oeq, %add3A_44, %eq3A_49 : vector<2048x2048xf32>
    %jit3A_51 = arith.constant 8192 : i32
    %broadcast_in_dim3A_52 = vector.broadcast %jit3A_51 : i32 to vector<2048x2048xi32>
    %select_n3A_53 = arith.select %eq3A_50, %iota3A_48, %broadcast_in_dim3A_52 : vector<2048x2048xi1>, vector<2048x2048xi32>
    %reduce_min3A_54 = arith.constant dense<2147483647> : vector<2048xi32>
    %reduce_min3A_55 = vector.multi_reduction <minsi>, %select_n3A_53, %reduce_min3A_54 [1] : vector<2048x2048xi32> to vector<2048xi32>
    %broadcast_in_dim3A_56 = vector.shape_cast %reduce_min3A_55 : vector<2048xi32> to vector<2048x1xi32>
    %convert_element_type3A_57 = arith.truncf %broadcast_in_dim3A_47 : vector<2048x1xf32> to vector<2048x1xbf16>
    %convert_element_type3A_58 = arith.extf %convert_element_type3A_57 : vector<2048x1xbf16> to vector<2048x1xf32>
    %lt3A_59 = arith.cmpf olt, %broadcast_in_dim3A_47, %select_n3A_28 : vector<2048x1xf32>
    %select_n3A_60 = arith.select %lt3A_59, %broadcast_in_dim3A_47, %select_n3A_27 : vector<2048x1xi1>, vector<2048x1xf32>
    %select_n3A_61 = arith.select %lt3A_59, %convert_element_type3A_58, %select_n3A_28 : vector<2048x1xi1>, vector<2048x1xf32>
    %add3A_62 = arith.constant 2048 : i32
    %add3A_63 = vector.broadcast %add3A_62 : i32 to vector<2048x1xi32>
    %add3A_64 = arith.addi %broadcast_in_dim3A_56, %add3A_63 : vector<2048x1xi32>
    %select_n3A_65 = arith.select %lt3A_59, %add3A_64, %select_n3A_32 : vector<2048x1xi1>, vector<2048x1xi32>
    %get3A_66 = arith.constant 4096 : index
    %get3A_67 = arith.constant 0 : index
    %get3A_68 = vector.load %arg2[%get3A_66, %get3A_67] : memref<8192x32xbf16, #tpu.memory_space<vmem>>, vector<2048x32xbf16>
    %get3A_69 = arith.constant 0 : index
    %get3A_70 = arith.constant 4096 : index
    %get3A_71 = vector.load %arg4[%get3A_69, %get3A_70] : memref<1x8192xf32, #tpu.memory_space<vmem>>, vector<1x2048xf32>
    %dot_general3A_72 = arith.constant dense<0.000000e+00> : vector<2048x2048xf32>
    %dot_general3A_73 = tpu.matmul %get3A_1, %get3A_68, %dot_general3A_72 {dimension_numbers = #tpu.dot_dimension_numbers<[1], [1], [0], [0], [0, 0, 1, 0], [], []>, transpose_lhs_hint = false} : vector<2048x32xbf16>, vector<2048x32xbf16>, vector<2048x2048xf32> -> vector<2048x2048xf32>
    %sub3A_74 = vector.broadcast %get3A_4 : vector<2048x1xf32> to vector<2048x2048xf32>
    %sub3A_75 = arith.subf %sub3A_74, %dot_general3A_73 : vector<2048x2048xf32>
    %add3A_76 = vector.broadcast %get3A_71 : vector<1x2048xf32> to vector<2048x2048xf32>
    %add3A_77 = arith.addf %sub3A_75, %add3A_76 : vector<2048x2048xf32>
    %reduce_min3A_78 = arith.constant dense<0x7F800000> : vector<2048xf32>
    %reduce_min3A_79 = vector.multi_reduction <minimumf>, %add3A_77, %reduce_min3A_78 [1] : vector<2048x2048xf32> to vector<2048xf32>
    %broadcast_in_dim3A_80 = vector.shape_cast %reduce_min3A_79 : vector<2048xf32> to vector<2048x1xf32>
    %iota3A_81 = tpu.iota {dimensions = array<i32: 1>} : vector<2048x2048xi32>
    %eq3A_82 = vector.broadcast %broadcast_in_dim3A_80 : vector<2048x1xf32> to vector<2048x2048xf32>
    %eq3A_83 = arith.cmpf oeq, %add3A_77, %eq3A_82 : vector<2048x2048xf32>
    %jit3A_84 = arith.constant 8192 : i32
    %broadcast_in_dim3A_85 = vector.broadcast %jit3A_84 : i32 to vector<2048x2048xi32>
    %select_n3A_86 = arith.select %eq3A_83, %iota3A_81, %broadcast_in_dim3A_85 : vector<2048x2048xi1>, vector<2048x2048xi32>
    %reduce_min3A_87 = arith.constant dense<2147483647> : vector<2048xi32>
    %reduce_min3A_88 = vector.multi_reduction <minsi>, %select_n3A_86, %reduce_min3A_87 [1] : vector<2048x2048xi32> to vector<2048xi32>
    %broadcast_in_dim3A_89 = vector.shape_cast %reduce_min3A_88 : vector<2048xi32> to vector<2048x1xi32>
    %convert_element_type3A_90 = arith.truncf %broadcast_in_dim3A_80 : vector<2048x1xf32> to vector<2048x1xbf16>
    %convert_element_type3A_91 = arith.extf %convert_element_type3A_90 : vector<2048x1xbf16> to vector<2048x1xf32>
    %lt3A_92 = arith.cmpf olt, %broadcast_in_dim3A_80, %select_n3A_61 : vector<2048x1xf32>
    %select_n3A_93 = arith.select %lt3A_92, %broadcast_in_dim3A_80, %select_n3A_60 : vector<2048x1xi1>, vector<2048x1xf32>
    %select_n3A_94 = arith.select %lt3A_92, %convert_element_type3A_91, %select_n3A_61 : vector<2048x1xi1>, vector<2048x1xf32>
    %add3A_95 = arith.constant 4096 : i32
    %add3A_96 = vector.broadcast %add3A_95 : i32 to vector<2048x1xi32>
    %add3A_97 = arith.addi %broadcast_in_dim3A_89, %add3A_96 : vector<2048x1xi32>
    %select_n3A_98 = arith.select %lt3A_92, %add3A_97, %select_n3A_65 : vector<2048x1xi1>, vector<2048x1xi32>
    %get3A_99 = arith.constant 6144 : index
    %get3A_100 = arith.constant 0 : index
    %get3A_101 = vector.load %arg2[%get3A_99, %get3A_100] : memref<8192x32xbf16, #tpu.memory_space<vmem>>, vector<2048x32xbf16>
    %get3A_102 = arith.constant 0 : index
    %get3A_103 = arith.constant 6144 : index
    %get3A_104 = vector.load %arg4[%get3A_102, %get3A_103] : memref<1x8192xf32, #tpu.memory_space<vmem>>, vector<1x2048xf32>
    %dot_general3A_105 = arith.constant dense<0.000000e+00> : vector<2048x2048xf32>
    %dot_general3A_106 = tpu.matmul %get3A_1, %get3A_101, %dot_general3A_105 {dimension_numbers = #tpu.dot_dimension_numbers<[1], [1], [0], [0], [0, 0, 1, 0], [], []>, transpose_lhs_hint = false} : vector<2048x32xbf16>, vector<2048x32xbf16>, vector<2048x2048xf32> -> vector<2048x2048xf32>
    %sub3A_107 = vector.broadcast %get3A_4 : vector<2048x1xf32> to vector<2048x2048xf32>
    %sub3A_108 = arith.subf %sub3A_107, %dot_general3A_106 : vector<2048x2048xf32>
    %add3A_109 = vector.broadcast %get3A_104 : vector<1x2048xf32> to vector<2048x2048xf32>
    %add3A_110 = arith.addf %sub3A_108, %add3A_109 : vector<2048x2048xf32>
    %reduce_min3A_111 = arith.constant dense<0x7F800000> : vector<2048xf32>
    %reduce_min3A_112 = vector.multi_reduction <minimumf>, %add3A_110, %reduce_min3A_111 [1] : vector<2048x2048xf32> to vector<2048xf32>
    %broadcast_in_dim3A_113 = vector.shape_cast %reduce_min3A_112 : vector<2048xf32> to vector<2048x1xf32>
    %iota3A_114 = tpu.iota {dimensions = array<i32: 1>} : vector<2048x2048xi32>
    %eq3A_115 = vector.broadcast %broadcast_in_dim3A_113 : vector<2048x1xf32> to vector<2048x2048xf32>
    %eq3A_116 = arith.cmpf oeq, %add3A_110, %eq3A_115 : vector<2048x2048xf32>
    %jit3A_117 = arith.constant 8192 : i32
    %broadcast_in_dim3A_118 = vector.broadcast %jit3A_117 : i32 to vector<2048x2048xi32>
    %select_n3A_119 = arith.select %eq3A_116, %iota3A_114, %broadcast_in_dim3A_118 : vector<2048x2048xi1>, vector<2048x2048xi32>
    %reduce_min3A_120 = arith.constant dense<2147483647> : vector<2048xi32>
    %reduce_min3A_121 = vector.multi_reduction <minsi>, %select_n3A_119, %reduce_min3A_120 [1] : vector<2048x2048xi32> to vector<2048xi32>
    %broadcast_in_dim3A_122 = vector.shape_cast %reduce_min3A_121 : vector<2048xi32> to vector<2048x1xi32>
    %lt3A_123 = arith.cmpf olt, %broadcast_in_dim3A_113, %select_n3A_94 : vector<2048x1xf32>
    %select_n3A_124 = arith.select %lt3A_123, %broadcast_in_dim3A_113, %select_n3A_93 : vector<2048x1xi1>, vector<2048x1xf32>
    %add3A_125 = arith.constant 6144 : i32
    %add3A_126 = vector.broadcast %add3A_125 : i32 to vector<2048x1xi32>
    %add3A_127 = arith.addi %broadcast_in_dim3A_122, %add3A_126 : vector<2048x1xi32>
    %select_n3A_128 = arith.select %lt3A_123, %add3A_127, %select_n3A_98 : vector<2048x1xi1>, vector<2048x1xi32>
    %swap3A = arith.constant 0 : index
    %swap3A_129 = arith.constant 0 : index
    %swap3A_130 = vector.load %arg5[%swap3A, %swap3A_129] : memref<2048x1xi32, #tpu.memory_space<vmem>>, vector<2048x1xi32>
    tpu.vector_store %arg5[%swap3A, %swap3A_129], %select_n3A_128 {strides = array<i32>} : memref<2048x1xi32, #tpu.memory_space<vmem>>, vector<2048x1xi32>,
    %eq3A_131 = arith.constant 0 : i32
    %eq3A_132 = arith.cmpi eq, %arg0, %eq3A_131 : i32
    %convert_element_type3A_133 = arith.extui %eq3A_132 : i1 to i32
    %cond3A = arith.constant 0 : i32
    %cond3A_134 = arith.cmpi ne, %convert_element_type3A_133, %cond3A : i32
    scf.if %cond3A_134 {
      %broadcast_in_dim3A_147 = arith.constant 0.000000e+00 : f32
      %broadcast_in_dim3A_148 = vector.broadcast %broadcast_in_dim3A_147 : f32 to vector<1x1xf32>
      %swap3A_149 = arith.constant 0 : index
      %swap3A_150 = arith.constant 0 : index
      %swap3A_151 = vector.load %arg6[%swap3A_149, %swap3A_150] : memref<1x1xf32, #tpu.memory_space<vmem>>, vector<1x1xf32>
      tpu.vector_store %arg6[%swap3A_149, %swap3A_150], %broadcast_in_dim3A_148 {strides = array<i32>} : memref<1x1xf32, #tpu.memory_space<vmem>>, vector<1x1xf32>,
    } else {
    }
    %get3A_135 = arith.constant 0 : index
    %get3A_136 = arith.constant 0 : index
    %get3A_137 = vector.load %arg6[%get3A_135, %get3A_136] : memref<1x1xf32, #tpu.memory_space<vmem>>, vector<1x1xf32>
    %reduce_sum3A = vector.shape_cast %select_n3A_124 : vector<2048x1xf32> to vector<1x2048x1xf32>
    %reduce_sum3A_138 = arith.constant dense<0.000000e+00> : vector<1xf32>
    %reduce_sum3A_139 = vector.multi_reduction <add>, %reduce_sum3A, %reduce_sum3A_138 [1, 2] : vector<1x2048x1xf32> to vector<1xf32>
    %reduce_sum3A_140 = vector.shape_cast %reduce_sum3A_139 : vector<1xf32> to vector<1x1x1xf32>
    %reduce_sum3A_141 = vector.extract %reduce_sum3A_140[0, 0, 0] : f32 from vector<1x1x1xf32>
    %broadcast_in_dim3A_142 = vector.broadcast %reduce_sum3A_141 : f32 to vector<1x1xf32>
    %add3A_143 = arith.addf %get3A_137, %broadcast_in_dim3A_142 : vector<1x1xf32>
    %swap3A_144 = arith.constant 0 : index
    %swap3A_145 = arith.constant 0 : index
    %swap3A_146 = vector.load %arg6[%swap3A_144, %swap3A_145] : memref<1x1xf32, #tpu.memory_space<vmem>>, vector<1x1xf32>
    tpu.vector_store %arg6[%swap3A_144, %swap3A_145], %add3A_143 {strides = array<i32>} : memref<1x1xf32, #tpu.memory_space<vmem>>, vector<1x1xf32>,
    return
  }
  func.func @transform_0(%arg0: i32) -> (i32, i32) {
    %c0_i32 = arith.constant 0 : i32
    %c0_i32_0 = arith.constant 0 : i32
    return %arg0, %c0_i32 : i32, i32
  }
  func.func @transform_1(%arg0: i32) -> (i32, i32) {
    %c0_i32 = arith.constant 0 : i32
    %c0_i32_0 = arith.constant 0 : i32
    %c0_i32_1 = arith.constant 0 : i32
    return %c0_i32, %c0_i32_0 : i32, i32
  }
  func.func @transform_2(%arg0: i32) -> (i32, i32) {
    %c0_i32 = arith.constant 0 : i32
    %c0_i32_0 = arith.constant 0 : i32
    return %arg0, %c0_i32 : i32, i32
  }
  func.func @transform_3(%arg0: i32) -> (i32, i32) {
    %c0_i32 = arith.constant 0 : i32
    %c0_i32_0 = arith.constant 0 : i32
    %c0_i32_1 = arith.constant 0 : i32
    return %c0_i32, %c0_i32_0 : i32, i32
  }
  func.func @transform_4(%arg0: i32) -> (i32, i32) {
    %c0_i32 = arith.constant 0 : i32
    %c0_i32_0 = arith.constant 0 : i32
    return %arg0, %c0_i32 : i32, i32
  }
  func.func @transform_5(%arg0: i32) -> (i32, i32) {
    %c0_i32 = arith.constant 0 : i32
    %c0_i32_0 = arith.constant 0 : i32
    %c0_i32_1 = arith.constant 0 : i32
    return %c0_i32, %c0_i32_0 : i32, i32
  }
}

module attributes {stable_mosaic.version = 14 : i64} {
  func.func @_final_body(%arg0: memref<2x8192xf32, #tpu.memory_space<vmem>>, %arg1: memref<1x1xf32, #tpu.memory_space<vmem>>, %arg2: memref<1x1xf32, #tpu.memory_space<vmem>>, %arg3: memref<1x1xf32, #tpu.memory_space<vmem>>, %arg4: memref<1x8192xf32, #tpu.memory_space<vmem>>) attributes {dimension_semantics = [], scalar_prefetch = 0 : i64, scratch_operands = 0 : i64, tpu.core_type = #tpu.core_type<tc>} {
    %get3A = arith.constant 0 : index
    %get3A_0 = arith.constant 0 : index
    %get3A_1 = vector.load %arg1[%get3A, %get3A_0] : memref<1x1xf32, #tpu.memory_space<vmem>>, vector<1x1xf32>
    %div3A = arith.constant 2.621440e+05 : f32
    %div3A_2 = vector.broadcast %div3A : f32 to vector<1x1xf32>
    %div3A_3 = arith.divf %get3A_1, %div3A_2 : vector<1x1xf32>
    %mul3A = arith.constant 2.500000e-01 : f32
    %mul3A_4 = vector.broadcast %mul3A : f32 to vector<1x1xf32>
    %mul3A_5 = arith.mulf %mul3A_4, %div3A_3 : vector<1x1xf32>
    %swap3A = arith.constant 0 : index
    %swap3A_6 = arith.constant 0 : index
    %swap3A_7 = vector.load %arg2[%swap3A, %swap3A_6] : memref<1x1xf32, #tpu.memory_space<vmem>>, vector<1x1xf32>
    tpu.vector_store %arg2[%swap3A, %swap3A_6], %mul3A_5 {strides = array<i32>} : memref<1x1xf32, #tpu.memory_space<vmem>>, vector<1x1xf32>,
    %get3A_8 = arith.constant 0 : index
    %get3A_9 = arith.constant 0 : index
    %get3A_10 = vector.load %arg0[%get3A_8, %get3A_9] : memref<2x8192xf32, #tpu.memory_space<vmem>>, vector<2x8192xf32>
    %reduce_sum3A = arith.constant dense<0.000000e+00> : vector<8192xf32>
    %reduce_sum3A_11 = vector.multi_reduction <add>, %get3A_10, %reduce_sum3A [0] : vector<2x8192xf32> to vector<8192xf32>
    %broadcast_in_dim3A = vector.shape_cast %reduce_sum3A_11 : vector<8192xf32> to vector<1x8192xf32>
    %reduce_sum3A_12 = vector.shape_cast %broadcast_in_dim3A : vector<1x8192xf32> to vector<1x1x8192xf32>
    %reduce_sum3A_13 = arith.constant dense<0.000000e+00> : vector<1xf32>
    %reduce_sum3A_14 = vector.multi_reduction <add>, %reduce_sum3A_12, %reduce_sum3A_13 [1, 2] : vector<1x1x8192xf32> to vector<1xf32>
    %reduce_sum3A_15 = vector.shape_cast %reduce_sum3A_14 : vector<1xf32> to vector<1x1x1xf32>
    %reduce_sum3A_16 = vector.extract %reduce_sum3A_15[0, 0, 0] : f32 from vector<1x1x1xf32>
    %max3A = arith.constant 1.000000e+00 : f32
    %max3A_17 = arith.maximumf %reduce_sum3A_16, %max3A : f32
    %div3A_18 = vector.broadcast %max3A_17 : f32 to vector<1x8192xf32>
    %div3A_19 = arith.divf %broadcast_in_dim3A, %div3A_18 : vector<1x8192xf32>
    %max3A_20 = arith.constant 9.99999996E-13 : f32
    %max3A_21 = vector.broadcast %max3A_20 : f32 to vector<1x8192xf32>
    %max3A_22 = arith.maximumf %div3A_19, %max3A_21 : vector<1x8192xf32>
    %log3A = math.log %max3A_22 : vector<1x8192xf32>
    %mul3A_23 = arith.mulf %div3A_19, %log3A : vector<1x8192xf32>
    %reduce_sum3A_24 = vector.shape_cast %mul3A_23 : vector<1x8192xf32> to vector<1x1x8192xf32>
    %reduce_sum3A_25 = arith.constant dense<0.000000e+00> : vector<1xf32>
    %reduce_sum3A_26 = vector.multi_reduction <add>, %reduce_sum3A_24, %reduce_sum3A_25 [1, 2] : vector<1x1x8192xf32> to vector<1xf32>
    %reduce_sum3A_27 = vector.shape_cast %reduce_sum3A_26 : vector<1xf32> to vector<1x1x1xf32>
    %reduce_sum3A_28 = vector.extract %reduce_sum3A_27[0, 0, 0] : f32 from vector<1x1x1xf32>
    %broadcast_in_dim3A_29 = vector.broadcast %reduce_sum3A_28 : f32 to vector<1x1xf32>
    %neg3A = arith.constant 0.000000e+00 : f32
    %neg3A_30 = vector.broadcast %neg3A : f32 to vector<1x1xf32>
    %neg3A_31 = arith.subf %neg3A_30, %broadcast_in_dim3A_29 : vector<1x1xf32>
    %exp3A = math.exp %neg3A_31 : vector<1x1xf32>
    %swap3A_32 = arith.constant 0 : index
    %swap3A_33 = arith.constant 0 : index
    %swap3A_34 = vector.load %arg3[%swap3A_32, %swap3A_33] : memref<1x1xf32, #tpu.memory_space<vmem>>, vector<1x1xf32>
    tpu.vector_store %arg3[%swap3A_32, %swap3A_33], %exp3A {strides = array<i32>} : memref<1x1xf32, #tpu.memory_space<vmem>>, vector<1x1xf32>,
    %div3A_35 = vector.broadcast %max3A_17 : f32 to vector<1x8192xf32>
    %div3A_36 = arith.divf %broadcast_in_dim3A, %div3A_35 : vector<1x8192xf32>
    %swap3A_37 = arith.constant 0 : index
    %swap3A_38 = arith.constant 0 : index
    %swap3A_39 = vector.load %arg4[%swap3A_37, %swap3A_38] : memref<1x8192xf32, #tpu.memory_space<vmem>>, vector<1x8192xf32>
    tpu.vector_store %arg4[%swap3A_37, %swap3A_38], %div3A_36 {strides = array<i32>} : memref<1x8192xf32, #tpu.memory_space<vmem>>, vector<1x8192xf32>,
    return
  }
}

</mosaic_0001>

<sc_bundles>
// kernel: kernel.5.cloned.1.call-start
scs
__scs_entry_jumppad:
0x0: {  	(pc) =	sbr.rel $0x88, $3  }
0x1: {  	(tag) =	ssettag $0x0;
	lr =	simm.s32 $0x1  }
0x2: {  	[smem:$0x3F9F] =	sst lr;
	_ =	strace $0xD0000000  }
0x3: {  	_ = 	snop  }
0x4: {  	_ = 	snop  }
0x5: {  	_ = 	snop  }
0x6: {  	_ = 	snop  }
0x7: {  	_ = 	snop  }
__scs_overlays_trampoline_lowered:
0x8: {  	[smem:$0x3FAE] =	sst s0  }
0x9: {  	[smem:$0x3FAF] =	sst s1  }
0xa: {  	[smem:$0x3FB0] =	sst s2  }
0xb: {  	[smem:$0x3FB1] =	sst s3  }
0xc: {  	[smem:$0x3FB2] =	sst s4  }
0xd: {  	[smem:$0x3FB3] =	sst s5  }
0xe: {  	[smem:$0x3FB4] =	sst s6  }
0xf: {  	[smem:$0x3FB5] =	sst s7  }
0x10: {  	[smem:$0x3FB6] =	sst s8  }
0x11: {  	[smem:$0x3FB7] =	sst s9;
	s0 =	simm.s32 @!p0 $0x0  }
0x12: {  	s1 =	sld [smem:$0x3F9D];
	s0 =	simm.s32 @p0 $0x1  }
0x13: {  	[smem:$0x3FB8] =	sst s0;
	s0 =	simm.s32 @!p1 $0x0  }
0x14: {  	s2 =	sld [smem:$0x3F9C];
	s0 =	simm.s32 @p1 $0x1  }
0x15: {  	[smem:$0x3FB9] =	sst s0;
	s0 =	simm.s32 @!p2 $0x0  }
0x16: {  	s3 =	sld [smem:$0x3FDB];
	s0 =	simm.s32 @p2 $0x1  }
0x17: {  	s4 =	simm.s32 $0x1BF5;
	[smem:$0x3FBB] =	sst s0  }
0x18: {  	s0 =	sld [smem:$0x3F9E];
	_ =	swait.ge [sflag:s4], $0x0  }
0x19: {  	s7 =	sld [smem:$0x3F9F]  }
0x1a: {  	s8 =	sadd.s32 $0xFFFFE003, lr  }
0x1b: {  	s9 =	sadd.s32 $0xFFFFFEF7, lr;
	s5 =	simm.s32 $0xFFFFFFFF;
	p2 =	slt.u32 s8, $0xFFFFF086  }
0x1c: {  	p1 =	slt.u32 s9, $0xF7A;
	s5 =	simm.s32 @!p2 $0x0  }
0x1d: {  	s5 =	simm.s32 @p1 $0x1;
	p0 =	seq.s32 s7, s2  }
0x1e: {  	s7 =	smul.u32 @!p0 $0xF7A, s2;
	p2 =	seq.s32 @!p0 s5, $0x0  }
0x1f: {  	s9 =	smul.u32 $0xF7A, s1;
	s8 =	simm.s32 @!p0 $0x1BF5;
	p2 =	por !p2, p0  }
0x20: {  	[sflag:s8] =	ssyncset.s32 @!p0 $0xFFFFF086;
	s6 =	sadd.s32 @!p0 s3, s7;
	s7 =	simm.s32 @!p0 $0x108  }
0x21: {  	s3 =	sadd.s32 s3, s9;
	s6 =	sadd.s32 @!p0 $0x88, s6;
	s7 =	simm.s32 @p2 $0x1082  }
0x22: {  	[simem:s7], [sflag:s8] =	dma.local @!p0 [hbm:s6], $0xF7A  }
0x23: {  	s9 =	sor.u32 $0xD0000000, s2;
	s6 =	simm.s32 $0x108;
	_ =	swait.ge @!p0 [sflag:s8], $0x0  }
0x24: {  	s3 =	sadd.s32 $0x88, s3;
	s6 =	simm.s32 @!p1 $0x1082;
	[sflag:s4] =	ssyncset.s32 $0xFFFFF086  }
0x25: {  	[simem:s6], [sflag:s4] =	dma.local [hbm:s3], $0xF7A  }
0x26: {  	[smem:$0x3F9F] =	sst s1;
	(tag) =	ssettag s2;
	_ =	strace s9  }
0x27: {  	s1 =	sld [smem:$0x3FAF]  }
0x28: {  	s2 =	sld [smem:$0x3FB0]  }
0x29: {  	s4 =	sld [smem:$0x3FB2]  }
0x2a: {  	p0 =	seq.s32 s5, $0x0;
	s5 =	sld [smem:$0x3FB3]  }
0x2b: {  	s6 =	sld [smem:$0x3FB4]  }
0x2c: {  	s7 =	sld [smem:$0x3FB5]  }
0x2d: {  	s3 =	simm.s32 $0x108;
	s8 =	sld [smem:$0x3FB6]  }
0x2e: {  	s3 =	simm.s32 @!p0 $0x1082;
	s9 =	sld [smem:$0x3FB7]  }
0x2f: {  	lr =	sadd.s32 s0, s3;
	s0 =	sld [smem:$0x3FAE]  }
0x30: {  	s3 =	sld [smem:$0x3FB1]  }
0x31: {  	[smem:$0x3FBA] =	sst s10  }
0x32: {  	s10 =	sld [smem:$0x3FB8];
	_ =	sdelay $0x3  }
0x33: {  	p0 =	seq.s32 s10, $0x1;
	s10 =	sld [smem:$0x3FBA];
	_ =	sdelay $0x3  }
0x34: {  	[smem:$0x3FBA] =	sst s10  }
0x35: {  	s10 =	sld [smem:$0x3FB9];
	_ =	sdelay $0x3  }
0x36: {  	p1 =	seq.s32 s10, $0x1;
	s10 =	sld [smem:$0x3FBA];
	_ =	sdelay $0x3  }
0x37: {  	[smem:$0x3FBA] =	sst s10  }
0x38: {  	s10 =	sld [smem:$0x3FBB]  }
0x39: {  	_ = 	snop;
	(pc) =	sbr.ind lr, $3  }
0x3a: {  	_ = 	snop  }
0x3b: {  	_ = 	snop  }
0x3c: {  	p2 =	seq.s32 s10, $0x1;
	s10 =	sld [smem:$0x3FBA]  }
0x3d: {  	_ =	shalt  }
0x3e: {  	_ =	shalt  }
0x3f: {  	_ =	shalt  }
0x40: {  	_ =	shalt  }
0x41: {  	_ =	shalt  }
0x42: {  	_ =	shalt  }
0x43: {  	_ =	shalt  }
0x44: {  	_ =	shalt  }
0x45: {  	_ =	shalt  }
0x46: {  	_ =	shalt  }
0x47: {  	_ =	shalt  }
0x48: {  	_ =	shalt  }
0x49: {  	_ =	shalt  }
0x4a: {  	_ =	shalt  }
0x4b: {  	_ =	shalt  }
0x4c: {  	_ =	shalt  }
0x4d: {  	_ =	shalt  }
0x4e: {  	_ =	shalt  }
0x4f: {  	_ =	shalt  }
0x50: {  	_ =	shalt  }
0x51: {  	_ =	shalt  }
0x52: {  	_ =	shalt  }
0x53: {  	_ =	shalt  }
0x54: {  	_ =	shalt  }
0x55: {  	_ =	shalt  }
0x56: {  	_ =	shalt  }
0x57: {  	_ =	shalt  }
0x58: {  	_ =	shalt  }
0x59: {  	_ =	shalt  }
0x5a: {  	_ =	shalt  }
0x5b: {  	_ =	shalt  }
0x5c: {  	_ =	shalt  }
0x5d: {  	_ =	shalt  }
0x5e: {  	_ =	shalt  }
0x5f: {  	_ =	shalt  }
0x60: {  	_ =	shalt  }
0x61: {  	_ =	shalt  }
0x62: {  	_ =	shalt  }
0x63: {  	_ =	shalt  }
0x64: {  	_ =	shalt  }
0x65: {  	_ =	shalt  }
0x66: {  	_ =	shalt  }
0x67: {  	_ =	shalt  }
0x68: {  	_ =	shalt  }
0x69: {  	_ =	shalt  }
0x6a: {  	_ =	shalt  }
0x6b: {  	_ =	shalt  }
0x6c: {  	_ =	shalt  }
0x6d: {  	_ =	shalt  }
0x6e: {  	_ =	shalt  }
0x6f: {  	_ =	shalt  }
0x70: {  	_ =	shalt  }
0x71: {  	_ =	shalt  }
0x72: {  	_ =	shalt  }
0x73: {  	_ =	shalt  }
0x74: {  	_ =	shalt  }
0x75: {  	_ =	shalt  }
0x76: {  	_ =	shalt  }
0x77: {  	_ =	shalt  }
0x78: {  	_ =	shalt  }
0x79: {  	_ =	shalt  }
0x7a: {  	_ =	shalt  }
0x7b: {  	_ =	shalt  }
0x7c: {  	_ =	shalt  }
0x7d: {  	_ =	shalt  }
0x7e: {  	_ =	shalt  }
0x7f: {  	_ =	shalt  }
0x80: {  	_ =	shalt  }
0x81: {  	_ =	shalt  }
0x82: {  	_ =	shalt  }
0x83: {  	_ =	shalt  }
0x84: {  	_ =	shalt  }
0x85: {  	_ =	shalt  }
0x86: {  	_ =	shalt  }
0x87: {  	_ =	shalt  }
.Lfunc_end0:
.L_simem_size_0:
called_computation_lowered:
.L_overlay_start_0:
0x88: {  	s2 =	sld [smem:$0x3FD9]  }
0x89: {  	s3 =	sld [smem:$0x3FFE];
	_ =	sdelay $0x1  }
0x8a: {  	s1 =	srdreg.scid  }
0x8b: {  	s0 =	sand.u32 $0x1, s1  }
0x8c: {  	s14 =	sshll.u32 s0, $0xA;
	s2 =	sadd.s32 s3, s2  }
0x8d: {  	s2 =	sadd.s32 s2, s14  }
0x8e: {  	[smem:$0x3FC6] =	sst s2  }
0x8f: {  	_ = 	snop  }
0x90: {  	s2 =	sld [smem:$0x3FD0];
	_ =	sdelay $0x2  }
0x91: {  	s15 =	simm.s32 $0xA;
	s4 =	simm.s32 $0x10  }
0x92: {  	[smem:s4], [sflag:s15] =	dma.local [hbm:s2], $0x1  }
0x93: {  	_ =	swait.eq [sflag:s15], $0x1  }
0x94: {  	[sflag:s15] =	ssyncset.done $0x0  }
0x95: {  	[sflag:s15] =	ssyncadd.s32 $0xFFFFFFFF  }
0x96: {  	s16 =	sld [smem:$0x14];
	(tm) =	ssettm $0x1  }
0x97: {  	s17 =	sld [smem:$0x3FFB];
	_ =	sdelay $0x3  }
0x98: {  	_ =	strace s17  }
0x99: {  	s3 =	sld [smem:$0x3FFC];
	_ =	sdelay $0x3  }
0x9a: {  	_ =	strace s3  }
0x9b: {  	s3 =	sld [smem:$0x3FFD];
	_ =	sdelay $0x3  }
0x9c: {  	_ =	strace s3  }
0x9d: {  	_ =	strace $0x8FFFFFFF  }
0x9e: {  	s18 =	sld [smem:$0x3FDB];
	_ =	sdelay $0x1  }
0x9f: {  	s19 =	simm.s32 $_scs_section_size  }
0xa0: {  	s5 =	simm.s32 $_size__tile_overlayer_lowered;
	s6 =	simm.s32 $_tile_overlayer_lowered  }
0xa1: {  	s22 =	simm.s32 $0x1BFF;
	s21 =	sshll.u32 s6, $0x1;
	s3 =	sadd.s32 s19, s18  }
0xa2: {  	s7 =	simm.s32 $0x0;
	s20 =	sshll.u32 s5, $0x1;
	s5 =	sadd.s32 s21, s3  }
0xa3: {  	[timem:s7], [sflag:s22] =	dma.local [hbm:s5], s20  }
0xa4: {  	_ =	swait.ge [sflag:s22], s20  }
0xa5: {  	s4 =	ssub.s32 $0x0, s20;
	[sflag:s22] =	ssyncset.done $0x0  }
0xa6: {  	[sflag:s22] =	ssyncadd.s32 s4;
	_ =	sdelay $0x1  }
0xa7: {  	s23 =	simm.s32 $0x1B8B  }
0xa8: {  	_ =	swait.ge [sflag:s23], $0x1  }
0xa9: {  	[sflag:s23] =	ssyncset.done $0x0  }
0xaa: {  	s25 =	simm.s32 $0x1B8E;
	s24 =	sld [smem:$0x3FFE];
	[sflag:s23] =	ssyncadd.s32 $0xFFFFFFFF  }
0xab: {  	s26 =	simm.s32 $execute0_lowered;
	[smem:$0x3FD2] =	sst s25  }
0xac: {  	s5 =	sshll.u32 s26, $0x1;
	_ =	strace $0x80000046;
	[dreg:$0x1] =	wrdreg $0xFFFFFFFF  }
0xad: {  	s28 =	simm.s32 $_size_execute0_lowered;
	s3 =	sadd.s32 s3, s5;
	[dreg:$0x0] =	wrdreg $0x0  }
0xae: {  	s5 =	sshll.u32 s28, $0x1;
	[dreg:$0x2] =	wrdreg s3  }
0xaf: {  	[dreg:$0x3] =	wrdreg s5  }
0xb0: {  	[dreg:$0x4] =	wrdreg $0xC0  }
0xb1: {  	_ =	task [dreg:s7], $0x5FFFF  }
0xb2: {  	[dreg:$0x1] =	wrdreg $0xFFFFFFFF  }
0xb3: {  	[dreg:$0x0] =	wrdreg $0x60  }
0xb4: {  	[dreg:$0x2] =	wrdreg s24  }
0xb5: {  	[dreg:$0x3] =	wrdreg s16  }
0xb6: {  	[dreg:$0x4] =	wrdreg $0xA1800  }
0xb7: {  	[dreg:$0x5] =	wrdreg $0x9  }
0xb8: {  	_ =	task.clear_ibuf [dreg:s7], $0x6FFFF;
	_ =	strace $0x90000046  }
0xb9: {  	s29 =	simm.s32 $0x9;
	_ =	strace $0x80000048  }
0xba: {  	_ =	swait.ge [sflag:s29], $0x1  }
0xbb: {  	[sflag:s29] =	ssyncadd.s32 $0xFFFFFFFF  }
0xbc: {  	_ =	strace $0x90000048  }
0xbd: {  	_ =	sfence  }
0xbe: {  	s30 =	sld [smem:$0x0];
	_ =	sdelay $0x2  }
0xbf: {  	s31 =	sshll.u32 s1, $0xD;
	s1 =	sshrl.u32 s1, $0x2  }
0xc0: {  	s3 =	sand.u32 $0x4000, s31;
	s1 =	sadd.s32 s1, s30  }
0xc1: {  	s0 =	sor.u32 s3, s0;
	s1 =	sshll.u32 s1, $0x11  }
0xc2: {  	s0 =	sor.u32 s1, s0  }
0xc3: {  	s0 =	sadd.s32 $0x8F2B, s0  }
0xc4: {  	[sflag:s0] =	ssyncadd.remote.s32 $0x1  }
0xc5: {  	_ =	sfence.sel $0xFFFF  }
0xc6: {  	[dreg:$0x0] =	wrdreg $0xFFFFFFFF;
	(pc) =	sbr.abs _section_cstart, $3  }
0xc7: {  	[dreg:$0x1] =	wrdreg $0xFFFFFFFF  }
0xc8: {  	_ =	task.clear_ibuf [dreg:s7], $0x2FFFF;
	_ =	strace $0x9FFFFFFF  }
0xc9: {  	(tm) =	ssettm $0x7FFFFFFF  }
tec
execute0_lowered:
.L_overlay_start_1:
0x0: {  	(tag) =	ssettag $0x1  }
0x1: {  	s4 =	rddreg [dreg:$0x0]  }
0x2: {  	s5 =	rddreg [dreg:$0x1]  }
0x3: {  	s1 =	rddreg [dreg:$0x2]  }
0x4: {  	s0 =	rddreg [dreg:$0x3]  }
0x5: {  	s3 =	srdreg.scid;
	s8 =	stileid.u32  }
0x6: {  	s2 =	simm.s32 $0x0;
	s12 =	simm.s32 $0x8180;
	s13 =	simm.s32 $0x8100  }
0x7: {  	s15 =	simm.s32 $0x1;
	s16 =	simm.s32 $0x20;
	s17 =	simm.s32 $0x10  }
0x8: {  	s18 =	simm.s32 $0x1C02;
	s19 =	simm.s32 $0x0;
	s6 =	sand.u32 $0x1, s3  }
0x9: {  	s30 =	sshll.u32 s8, $0x1;
	[smem:$0x7FF] =	sst s2;
	s3 =	sadd.s32 $0x800, s4  }
0xa: {  	p0 =	sne.s32 s8, $0x0;
	s8 =	simm.s32 $0x2;
	s14 =	sshrl.u32 s1, $0x3  }
0xb: {  	s7 =	sor.u32 s6, s30;
	_ =	strace $0x80000047;
	s10 =	sshll.u32 s6, $0x4  }
.Ltmp0:
0xc: {  	s6 =	ssub.s32 $0x2, s6;
	s9 =	sshll.u32 s7, $0xC;
	(pc) =	sbr.rel .LBB2_1-.Ltmp0, $4  }
0xd: {  	s10 =	sadd.s32 s10, s4;
	s31 =	sshrl.u32 s6, $0x1;
	s7 =	sshll.u32 s7, $0x5  }
0xe: {  	s9 =	sadd.s32 s9, s4;
	s11 =	ssub.s32 s6, s31;
	s4 =	sadd.s32 s5, s7  }
0xf: {  	s5 =	sadd.s32 $0x40800, s10;
	s10 =	simm.s32 $0x100;
	s6 =	sadd.s32 $0x20800, s9  }
0x10: {  	v0 =	vimm.f32 $1.000000000e+00;
	v1 =	vimm.f32 $0.0e+00;
	s7 =	smax.u32 s11, $0x1;
	s9 =	simm.s32 $0x80;
	s11 =	simm.s32 $0x4100  }
.LBB2_5:
0x11: {  	[bflag:$0x0] =	sbarrier.arrive $0xFFFF  }
0x12: {  	[spmem:s1] =	stream.indirect.scatter.add.f32 [tilespmem:s13], [sflag:$0x2], $0x1, s2, s9, $0xb8;
	[tilespmem:$0xA380] =	vst v63  }
0x13: {  	_ =	swait.ge [sflag:s8], $0x80  }
0x14: {  	[sflag:s8] =	ssyncset.done $0x0  }
0x15: {  	[sflag:s8] =	ssyncadd.s32 $0xFFFFFF80  }
0x16: {  	[spmem:s1] =	stream.indirect.scatter.add.f32 [tilespmem:s13], [sflag:$0x2], $0x1, s9, s9, $0xb8;
	[tilespmem:$0xA380] =	vst v63  }
0x17: {  	_ =	swait.ge [sflag:s8], $0x80  }
0x18: {  	[sflag:s8] =	ssyncset.done $0x0  }
0x19: {  	[sflag:s8] =	ssyncadd.s32 $0xFFFFFF80  }
0x1a: {  	[bflag:$0x0] =	sbarrier.arrive $0xFFFF  }
.LBB2_6:
0x1b: {  	_ =	swait.ge [sflag:s15], $0x4000  }
0x1c: {  	[sflag:s15] =	ssyncset.done $0x0  }
0x1d: {  	[sflag:s15] =	ssyncadd.s32 $0xFFFFC000  }
0x1e: {  	s19 =	sadd.s32 $0x1, s19;
	_ =	swait.ge [sflag:s15], $0x4000  }
0x1f: {  	p1 =	sne.s32 s19, s7;
	[sflag:s15] =	ssyncset.done $0x0  }
.Ltmp1:
0x20: {  	[sflag:s15] =	ssyncadd.s32 $0xFFFFC000;
	(pc) =	sbr.rel @!p1 .LBB2_7-.Ltmp1, $4  }
0x21: {  	[hbm4b:s6+s2] =	stream.linear.scatter [tilespmem:s10], [sflag:$0x2], $0x8000, $0x38;
	[tilespmem:$0xA380] =	vst v63  }
0x22: {  	_ =	swait.ge [sflag:s8], $0x8000  }
0x23: {  	[sflag:s8] =	ssyncset.done $0x0  }
0x24: {  	[sflag:s8] =	ssyncadd.s32 $0xFFFF8000  }
.LBB2_1:
0x25: {  	[tilespmem:s2], [sflag:$0x2] =	stream.linear.gather [hbm4b:s4+s2], $0x100, $0x38;
	[tilespmem:$0xA380] =	vst v63  }
0x26: {  	_ =	swait.ge [sflag:s8], $0x100  }
0x27: {  	[sflag:s8] =	ssyncset.done $0x0  }
0x28: {  	[sflag:s8] =	ssyncadd.s32 $0xFFFFFF00  }
0x29: {  	[tilespmem:s10], [sflag:$0x1] =	stream.indirect.gather [hbm4b:s3+s9], $0x80, s2, s9, $0xb8;
	[tilespmem:$0xA380] =	vst v63  }
0x2a: {  	_ = 	snop  }
0x2b: {  	[tilespmem:s11], [sflag:$0x1] =	stream.indirect.gather [hbm4b:s3+s9], $0x80, s9, s9, $0xb8;
	[tilespmem:$0xA380] =	vst v63  }
0x2c: {  	[tilespmem:$0x8100] =	vst v0  }
0x2d: {  	[tilespmem:$0x8110] =	vst v0  }
0x2e: {  	[tilespmem:$0x8120] =	vst v0  }
.Ltmp2:
0x2f: {  	[tilespmem:$0x8130] =	vst v0;
	(pc) =	sbr.rel @p0 .LBB2_5-.Ltmp2, $4  }
0x30: {  	[tilespmem:$0x8140] =	vst v0  }
0x31: {  	[tilespmem:$0x8150] =	vst v0  }
0x32: {  	[tilespmem:$0x8160] =	vst v0  }
0x33: {  	[tilespmem:$0x8170] =	vst v0  }
0x34: {  	s20 =	simm.s32 $0x40;
	s21 =	simm.s32 $0x0  }
.LBB2_3:
0x35: {  	p1 =	sne.s32 s20, $0x7FC0;
	[tilespmem:s21+$0x8180] =	vst v1;
	s21 =	smov.u32 s20;
	s20 =	sadd.s32 $0x40, s20  }
.Ltmp3:
0x36: {  	(pc) =	sbr.rel @p1 .LBB2_3-.Ltmp3, $2  }
0x37: {  	_ =	sdelay $0x2  }
0x38: {  	s21 =	sshra.s32 s21, $0x2  }
0x39: {  	[tilespmem:s21+$0x8180] =	vst v1  }
0x3a: {  	[spmem:s1] =	stream.linear.scatter [tilespmem:s12], [sflag:$0x2], $0x2000, $0x38;
	[tilespmem:$0xA380] =	vst v63  }
0x3b: {  	_ =	swait.ge [sflag:s8], $0x2000  }
0x3c: {  	[sflag:s8] =	ssyncset.done $0x0  }
0x3d: {  	[sflag:s8] =	ssyncadd.s32 $0xFFFFE000  }
0x3e: {  	[bflag:$0x0] =	sbarrier.arrive $0xFFFF  }
0x3f: {  	[spmem:s1] =	stream.indirect.scatter.add.f32 [tilespmem:s13], [sflag:$0x2], $0x1, s2, s9, $0xb8;
	[tilespmem:$0xA380] =	vst v63  }
0x40: {  	_ =	swait.ge [sflag:s8], $0x80  }
0x41: {  	[sflag:s8] =	ssyncset.done $0x0  }
0x42: {  	[sflag:s8] =	ssyncadd.s32 $0xFFFFFF80  }
0x43: {  	[spmem:s1] =	stream.indirect.scatter.add.f32 [tilespmem:s13], [sflag:$0x2], $0x1, s9, s9, $0xb8;
	[tilespmem:$0xA380] =	vst v63  }
0x44: {  	_ =	swait.ge [sflag:s8], $0x80  }
0x45: {  	[sflag:s8] =	ssyncset.done $0x0  }
0x46: {  	[sflag:s8] =	ssyncadd.s32 $0xFFFFFF80  }
.Ltmp4:
0x47: {  	[bflag:$0x0] =	sbarrier.arrive $0xFFFF;
	(pc) =	sbr.rel .LBB2_6-.Ltmp4, $4  }
0x48: {  	[hbm:s5@s16], [sflag:s18] =	dma.strided [spmem:s14@s17], $0x400, s15, $0x10   }
0x49: {  	_ =	swait.ge [sflag:s8], $0x400  }
0x4a: {  	[sflag:s8] =	ssyncset.done $0x0  }
0x4b: {  	[sflag:s8] =	ssyncadd.s32 $0xFFFFFC00  }
.LBB2_7:
0x4c: {  	_ =	sfence.sel $0x180000  }
0x4d: {  	[bflag:$0x0] =	sbarrier.arrive $0xFFFF  }
0x4e: {  	_ =	strace $0x90000047  }
0x4f: {  	s0 =	sadd.s32 @!p0 $0x100000, s0;
	[bflag:$0x2] =	sbarrier.arrive $0xFFFF  }
0x50: {  	[sflag:s0] =	ssyncadd.tile.s32 @!p0 $0x1;
	_ =	shalt  }
.Lfunc_end2:
_tile_overlayer_lowered:
.L_overlay_start_2:
0x51: {  	(tag) =	ssettag $0x2  }
0x52: {  	s0 =	rddreg [dreg:$0x0];
	s2 =	stileid.u32  }
0x53: {  	s1 =	rddreg [dreg:$0x1];
	p0 =	sne.s32 s2, $0x0  }
0x54: {  	s3 =	rddreg [dreg:$0x2];
	[bflag:$0x3] =	sbarrier.arrive $0xFFFF;
	s2 =	simm.s32 @!p0 $0x1C02  }
0x55: {  	[timem:s3], [sflag:s2] =	dma.local @!p0 [hbm:s0], s1  }
0x56: {  	s0 =	simm.s32 @!p0 $0x2  }
0x57: {  	_ =	swait.ge @!p0 [sflag:s0], s1  }
0x58: {  	s1 =	ssub.s32 @!p0 $0x0, s1;
	[sflag:s0] =	ssyncset.done @!p0 $0x0  }
0x59: {  	[sflag:s0] =	ssyncadd.s32 @!p0 s1  }
0x5a: {  	[bflag:$0x3] =	sbarrier.arrive $0xFFFF  }
0x5b: {  	_ =	shalt  }

</sc_bundles>
